<compile_context>
chip_gen: v7x
topology: tpu7x:2x2x1
jax: 0.10.2.dev20260603
libtpu: 0.0.44.dev20260713+nightly
codegen_flags: <defaults>
</compile_context>

<pallas_src>
import functools

import jax
import jax.numpy as jnp
from jax import lax
from jax.experimental import pallas as pl
from jax.experimental.pallas import tpu as pltpu
from jax.experimental.pallas import tpu_sc as plsc

NUM_CLASSES = 1000
HIDDEN = 128
BATCH = 16384

_info = plsc.get_sparse_core_info()
_NC, _NS = _info.num_cores, _info.num_subcores
_NW = _NC * _NS
_BPW = BATCH // _NW
_CHUNK = 64
_NCHUNK = _BPW // _CHUNK
_NHBM = 1

_IPR = 128 // _CHUNK

_mesh = plsc.VectorSubcoreMesh(core_axis_name="c", subcore_axis_name="s")


@functools.partial(
    pl.kernel,
    mesh=_mesh,
    out_type=jax.ShapeDtypeStruct((BATCH, HIDDEN), jnp.float32),
    scratch_types=[
        pltpu.VMEM((_BPW // 128, 128), jnp.int32),
        pltpu.VMEM((_BPW, HIDDEN), jnp.float32),
        pltpu.VMEM_SHARED((NUM_CLASSES + 1, HIDDEN), jnp.float32),
        [pltpu.SemaphoreType.DMA for _ in range(_NCHUNK)],
        pltpu.SemaphoreType.DMA,
        pltpu.SemaphoreType.DMA,
    ],
)
def _sc_embed(table_hbm, labels_hbm, out_hbm, idx_v, rows_v, tab_sh,
              gsems, wsem, ssem):
    sid = lax.axis_index("s")
    wid = lax.axis_index("c") * _NS + sid
    start = pl.multiple_of(sid * 64, 8)
    stage64 = pltpu.make_async_copy(
        table_hbm.at[pl.ds(start, 64)], tab_sh.at[pl.ds(start, 64)], ssem)
    stage41 = pltpu.make_async_copy(
        table_hbm.at[pl.ds(960, NUM_CLASSES + 1 - 960)],
        tab_sh.at[pl.ds(960, NUM_CLASSES + 1 - 960)], ssem)

    @pl.when(sid < 15)
    def _():
        stage64.start()

    @pl.when(sid == 15)
    def _():
        stage41.start()

    pltpu.sync_copy(labels_hbm.at[wid], idx_v)

    gathers = []
    for j in range(_NHBM):
        gathers.append(
            pltpu.async_copy(
                table_hbm.at[idx_v.at[j // _IPR, pl.ds((j % _IPR) * _CHUNK, _CHUNK)]],
                rows_v.at[pl.ds(j * _CHUNK, _CHUNK)],
                gsems[j],
            )
        )

    @pl.when(sid < 15)
    def _():
        stage64.wait()

    @pl.when(sid == 15)
    def _():
        stage41.wait()

    plsc.subcore_barrier()
    for j in range(_NHBM, _NCHUNK):
        gathers.append(
            pltpu.async_copy(
                tab_sh.at[idx_v.at[j // _IPR, pl.ds((j % _IPR) * _CHUNK, _CHUNK)]],
                rows_v.at[pl.ds(j * _CHUNK, _CHUNK)],
                gsems[j],
            )
        )
    writes = []
    for j in range(0, _NCHUNK, 2):
        gathers[j].wait()
        gathers[j + 1].wait()
        writes.append(
            pltpu.async_copy(
                rows_v.at[pl.ds(j * _CHUNK, 2 * _CHUNK)],
                out_hbm.at[pl.ds(wid * _BPW + j * _CHUNK, 2 * _CHUNK)],
                wsem,
            )
        )
    for w in writes:
        w.wait()


def kernel(labels, train, dtype, table):
    labels3d = labels.astype(jnp.int32).reshape(_NW, _BPW // 128, 128)
    out = _sc_embed(table, labels3d)
    return out.astype(dtype.dtype)

# --- scband reference (transcript-rebuilt; emitter-appended) ---
"""Pipeline reference for scband-label-embedder-23630910063114 (READ-ONLY COPY).

The authoritative reference and input builder live on the scoring server;
editing this copy changes nothing except your own understanding.
"""

import jax, jax.numpy as jnp
import numpy as np

NUM_CLASSES = 1000
HIDDEN = 128
BATCH = 16384

def setup_inputs(seed: int = 0) -> dict:
    key = jax.random.key(seed)
    k1, k2 = jax.random.split(key)
    labels = jax.random.randint(k1, (BATCH,), 0, NUM_CLASSES, dtype=jnp.int64 if jax.config.jax_enable_x64 else jnp.int32)
    # embedding table has num_classes + 1 rows (extra CFG-null row since dropout_prob > 0)
    table = jax.random.normal(k2, (NUM_CLASSES + 1, HIDDEN), dtype=jnp.float32) * 0.02
    # train flag is 0 (eval mode) so token_drop is skipped -> deterministic
    train = 0
    # dtype is passed as a reference tensor; output cast to its dtype (float32)
    dtype = jnp.zeros((1,), dtype=jnp.float32)
    return {"labels": labels, "train": train, "dtype": dtype, "table": table}

def reference(labels, train, dtype, table):
    # train == 0 and force_drop_ids is None -> no label dropout branch taken
    # (use_dropout is True but `train and use_dropout` is falsy)
    embeddings = jnp.take(table, labels, axis=0)
    embeddings = embeddings.astype(dtype.dtype)
    return embeddings

if __name__ == "__main__":
    import jax
    _d = setup_inputs()
    print(jax.jit(kernel)(*tuple(_d.values())))

</pallas_src>

<mosaic_0001>
#map = affine_map<(d0, d1) -> (0, 0)>
#map1 = affine_map<(d0, d1) -> (0, 0, 0)>
module attributes {stable_mosaic.version = 14 : i64} {
  func.func @_sc_embed(%arg0: i32, %arg1: i32, %arg2: memref<1001x128xf32, #tpu.memory_space<hbm>>, %arg3: memref<32x4x128xi32, #tpu.memory_space<hbm>>, %arg4: memref<16384x128xf32, #tpu.memory_space<hbm>>, %arg5: memref<4x128xi32, #tpu.memory_space<vmem>>, %arg6: memref<512x128xf32, #tpu.memory_space<vmem>>, %arg7: memref<1001x128xf32, #tpu.memory_space<vmem_shared>>, %arg8: memref<!tpu.dma_semaphore, #tpu.memory_space<semaphore_mem>>, %arg9: memref<!tpu.dma_semaphore, #tpu.memory_space<semaphore_mem>>, %arg10: memref<!tpu.dma_semaphore, #tpu.memory_space<semaphore_mem>>, %arg11: memref<!tpu.dma_semaphore, #tpu.memory_space<semaphore_mem>>, %arg12: memref<!tpu.dma_semaphore, #tpu.memory_space<semaphore_mem>>, %arg13: memref<!tpu.dma_semaphore, #tpu.memory_space<semaphore_mem>>, %arg14: memref<!tpu.dma_semaphore, #tpu.memory_space<semaphore_mem>>, %arg15: memref<!tpu.dma_semaphore, #tpu.memory_space<semaphore_mem>>, %arg16: memref<!tpu.dma_semaphore, #tpu.memory_space<semaphore_mem>>, %arg17: memref<!tpu.dma_semaphore, #tpu.memory_space<semaphore_mem>>) attributes {dimension_semantics = [#tpu.dimension_semantics<core_parallel>, #tpu.dimension_semantics<subcore_parallel>], iteration_bounds = array<i64: 2, 16>, scalar_prefetch = 0 : i64, scratch_operands = 13 : i64, tpu.core_type = #tpu.core_type<sc_vector_subcore>, window_params = [{transform_indices = #map}, {transform_indices = #map1}, {transform_indices = #map}]} {
    %mul3A = arith.constant 16 : i32
    %mul3A_0 = arith.muli %arg0, %mul3A : i32
    %add3A = arith.addi %mul3A_0, %arg1 : i32
    %mul3A_1 = arith.constant 64 : i32
    %mul3A_2 = arith.muli %arg1, %mul3A_1 : i32
    %multiple_of3A = tpu.assume_multiple %mul3A_2, 8 : i32
    %lt3A = arith.constant 15 : i32
    %lt3A_3 = arith.cmpi slt, %arg1, %lt3A : i32
    %convert_element_type3A = arith.extui %lt3A_3 : i1 to i32
    %cond3A = arith.constant 0 : i32
    %cond3A_4 = arith.cmpi ne, %convert_element_type3A, %cond3A : i32
    scf.if %cond3A_4 {
      %dma_start3A_273 = arith.constant 0 : i32
      %dma_start3A_274 = tpu.memref_slice %arg7[%multiple_of3A, %dma_start3A_273] : memref<1001x128xf32, #tpu.memory_space<vmem_shared>> -> memref<64x128xf32, #tpu.memory_space<vmem_shared>>
      %dma_start3A_275 = arith.constant 0 : i32
      %dma_start3A_276 = tpu.memref_slice %arg2[%multiple_of3A, %dma_start3A_275] : memref<1001x128xf32, #tpu.memory_space<hbm>> -> memref<64x128xf32, #tpu.memory_space<hbm>>
      tpu.enqueue_dma source(%dma_start3A_276 : memref<64x128xf32, #tpu.memory_space<hbm>>) target(%dma_start3A_274 : memref<64x128xf32, #tpu.memory_space<vmem_shared>>) target_semaphore(%arg17 : memref<!tpu.dma_semaphore, #tpu.memory_space<semaphore_mem>>)
    } else {
    }
    %eq3A = arith.constant 15 : i32
    %eq3A_5 = arith.cmpi eq, %arg1, %eq3A : i32
    %convert_element_type3A_6 = arith.extui %eq3A_5 : i1 to i32
    %cond3A_7 = arith.constant 0 : i32
    %cond3A_8 = arith.cmpi ne, %convert_element_type3A_6, %cond3A_7 : i32
    scf.if %cond3A_8 {
      %dma_start3A_273 = arith.constant 960 : i32
      %dma_start3A_274 = arith.constant 0 : i32
      %dma_start3A_275 = tpu.memref_slice %arg7[%dma_start3A_273, %dma_start3A_274] : memref<1001x128xf32, #tpu.memory_space<vmem_shared>> -> memref<41x128xf32, #tpu.memory_space<vmem_shared>>
      %dma_start3A_276 = arith.constant 960 : i32
      %dma_start3A_277 = arith.constant 0 : i32
      %dma_start3A_278 = tpu.memref_slice %arg2[%dma_start3A_276, %dma_start3A_277] : memref<1001x128xf32, #tpu.memory_space<hbm>> -> memref<41x128xf32, #tpu.memory_space<hbm>>
      tpu.enqueue_dma source(%dma_start3A_278 : memref<41x128xf32, #tpu.memory_space<hbm>>) target(%dma_start3A_275 : memref<41x128xf32, #tpu.memory_space<vmem_shared>>) target_semaphore(%arg17 : memref<!tpu.dma_semaphore, #tpu.memory_space<semaphore_mem>>)
    } else {
    }
    "tpu.region"() ({
      %run_scoped3A = tpu.sem_alloc : memref<!tpu.dma_semaphore, #tpu.memory_space<semaphore_mem>>
      %dma_start3A_273 = arith.constant 0 : i32
      %dma_start3A_274 = arith.constant 0 : i32
      %dma_start3A_275 = tpu.memref_slice %arg3[%add3A, %dma_start3A_273, %dma_start3A_274] : memref<32x4x128xi32, #tpu.memory_space<hbm>> -> memref<1x4x128xi32, #tpu.memory_space<hbm>>
      %dma_start3A_276 = tpu.memref_squeeze %dma_start3A_275 : memref<1x4x128xi32, #tpu.memory_space<hbm>> -> memref<4x128xi32, #tpu.memory_space<hbm>>
      %dma_start3A_277 = arith.constant 0 : i32
      %dma_start3A_278 = arith.constant 0 : i32
      %dma_start3A_279 = tpu.memref_slice %arg3[%add3A, %dma_start3A_277, %dma_start3A_278] : memref<32x4x128xi32, #tpu.memory_space<hbm>> -> memref<1x4x128xi32, #tpu.memory_space<hbm>>
      %dma_start3A_280 = tpu.memref_squeeze %dma_start3A_279 : memref<1x4x128xi32, #tpu.memory_space<hbm>> -> memref<4x128xi32, #tpu.memory_space<hbm>>
      tpu.enqueue_dma source(%dma_start3A_280 : memref<4x128xi32, #tpu.memory_space<hbm>>) target(%arg5 : memref<4x128xi32, #tpu.memory_space<vmem>>) target_semaphore(%run_scoped3A : memref<!tpu.dma_semaphore, #tpu.memory_space<semaphore_mem>>)
      %dma_wait3A_281 = arith.constant 0 : i32
      %dma_wait3A_282 = arith.constant 0 : i32
      %dma_wait3A_283 = tpu.memref_slice %arg3[%add3A, %dma_wait3A_281, %dma_wait3A_282] : memref<32x4x128xi32, #tpu.memory_space<hbm>> -> memref<1x4x128xi32, #tpu.memory_space<hbm>>
      %dma_wait3A_284 = tpu.memref_squeeze %dma_wait3A_283 : memref<1x4x128xi32, #tpu.memory_space<hbm>> -> memref<4x128xi32, #tpu.memory_space<hbm>>
      %dma_wait3A_285 = arith.constant 0 : i32
      %dma_wait3A_286 = arith.constant 0 : i32
      %dma_wait3A_287 = tpu.memref_slice %arg3[%add3A, %dma_wait3A_285, %dma_wait3A_286] : memref<32x4x128xi32, #tpu.memory_space<hbm>> -> memref<1x4x128xi32, #tpu.memory_space<hbm>>
      %dma_wait3A_288 = tpu.memref_squeeze %dma_wait3A_287 : memref<1x4x128xi32, #tpu.memory_space<hbm>> -> memref<4x128xi32, #tpu.memory_space<hbm>>
      tpu.wait_dma2 semaphore(%run_scoped3A : memref<!tpu.dma_semaphore, #tpu.memory_space<semaphore_mem>>) src(%dma_wait3A_288 : memref<4x128xi32, #tpu.memory_space<hbm>>) dst(%arg5 : memref<4x128xi32, #tpu.memory_space<vmem>>)
      tpu.yield
    }) : () -> ()
    %dma_start3A = arith.constant 0 : i32
    %dma_start3A_9 = arith.constant 0 : i32
    %dma_start3A_10 = arith.constant 0 : i32
    %dma_start3A_11 = tpu.memref_slice %arg6[%dma_start3A_9, %dma_start3A_10] : memref<512x128xf32, #tpu.memory_space<vmem>> -> memref<64x128xf32, #tpu.memory_space<vmem>>
    %dma_start3A_12 = arith.constant 0 : i32
    %dma_start3A_13 = tpu.memref_slice %arg5[%dma_start3A, %dma_start3A_12] : memref<4x128xi32, #tpu.memory_space<vmem>> -> memref<1x64xi32, #tpu.memory_space<vmem>>
    %dma_start3A_14 = tpu.memref_squeeze %dma_start3A_13 : memref<1x64xi32, #tpu.memory_space<vmem>> -> memref<64xi32, #tpu.memory_space<vmem>>
    %dma_start3A_15 = arith.constant 0 : i32
    %dma_start3A_16 = arith.constant 0 : i32
    %dma_start3A_17 = tpu.memref_slice %arg2[%dma_start3A_15, %dma_start3A_16] : memref<1001x128xf32, #tpu.memory_space<hbm>> -> memref<1001x128xf32, #tpu.memory_space<hbm>>
    tpu.enqueue_indirect_dma source(%dma_start3A_17 : memref<1001x128xf32, #tpu.memory_space<hbm>>) target(%dma_start3A_11 : memref<64x128xf32, #tpu.memory_space<vmem>>) offsets(%dma_start3A_14 : memref<64xi32, #tpu.memory_space<vmem>>) semaphore(%arg8 : memref<!tpu.dma_semaphore, #tpu.memory_space<semaphore_mem>>)
    %lt3A_18 = arith.constant 15 : i32
    %lt3A_19 = arith.cmpi slt, %arg1, %lt3A_18 : i32
    %convert_element_type3A_20 = arith.extui %lt3A_19 : i1 to i32
    %cond3A_21 = arith.constant 0 : i32
    %cond3A_22 = arith.cmpi ne, %convert_element_type3A_20, %cond3A_21 : i32
    scf.if %cond3A_22 {
      %dma_wait3A_273 = arith.constant 0 : i32
      %dma_wait3A_274 = tpu.memref_slice %arg7[%multiple_of3A, %dma_wait3A_273] : memref<1001x128xf32, #tpu.memory_space<vmem_shared>> -> memref<64x128xf32, #tpu.memory_space<vmem_shared>>
      %dma_wait3A_275 = arith.constant 0 : i32
      %dma_wait3A_276 = tpu.memref_slice %arg2[%multiple_of3A, %dma_wait3A_275] : memref<1001x128xf32, #tpu.memory_space<hbm>> -> memref<64x128xf32, #tpu.memory_space<hbm>>
      tpu.wait_dma2 semaphore(%arg17 : memref<!tpu.dma_semaphore, #tpu.memory_space<semaphore_mem>>) src(%dma_wait3A_276 : memref<64x128xf32, #tpu.memory_space<hbm>>) dst(%dma_wait3A_274 : memref<64x128xf32, #tpu.memory_space<vmem_shared>>)
    } else {
    }
    %eq3A_23 = arith.constant 15 : i32
    %eq3A_24 = arith.cmpi eq, %arg1, %eq3A_23 : i32
    %convert_element_type3A_25 = arith.extui %eq3A_24 : i1 to i32
    %cond3A_26 = arith.constant 0 : i32
    %cond3A_27 = arith.cmpi ne, %convert_element_type3A_25, %cond3A_26 : i32
    scf.if %cond3A_27 {
      %dma_wait3A_273 = arith.constant 960 : i32
      %dma_wait3A_274 = arith.constant 0 : i32
      %dma_wait3A_275 = tpu.memref_slice %arg7[%dma_wait3A_273, %dma_wait3A_274] : memref<1001x128xf32, #tpu.memory_space<vmem_shared>> -> memref<41x128xf32, #tpu.memory_space<vmem_shared>>
      %dma_wait3A_276 = arith.constant 960 : i32
      %dma_wait3A_277 = arith.constant 0 : i32
      %dma_wait3A_278 = tpu.memref_slice %arg2[%dma_wait3A_276, %dma_wait3A_277] : memref<1001x128xf32, #tpu.memory_space<hbm>> -> memref<41x128xf32, #tpu.memory_space<hbm>>
      tpu.wait_dma2 semaphore(%arg17 : memref<!tpu.dma_semaphore, #tpu.memory_space<semaphore_mem>>) src(%dma_wait3A_278 : memref<41x128xf32, #tpu.memory_space<hbm>>) dst(%dma_wait3A_275 : memref<41x128xf32, #tpu.memory_space<vmem_shared>>)
    } else {
    }
    %barrier3A = arith.constant 0 : index
    tpu.barrier barrier_id(%barrier3A)
    %dma_start3A_28 = arith.constant 0 : i32
    %dma_start3A_29 = arith.constant 64 : i32
    %dma_start3A_30 = arith.constant 0 : i32
    %dma_start3A_31 = tpu.memref_slice %arg6[%dma_start3A_29, %dma_start3A_30] : memref<512x128xf32, #tpu.memory_space<vmem>> -> memref<64x128xf32, #tpu.memory_space<vmem>>
    %dma_start3A_32 = arith.constant 64 : i32
    %dma_start3A_33 = tpu.memref_slice %arg5[%dma_start3A_28, %dma_start3A_32] : memref<4x128xi32, #tpu.memory_space<vmem>> -> memref<1x64xi32, #tpu.memory_space<vmem>>
    %dma_start3A_34 = tpu.memref_squeeze %dma_start3A_33 : memref<1x64xi32, #tpu.memory_space<vmem>> -> memref<64xi32, #tpu.memory_space<vmem>>
    %dma_start3A_35 = arith.constant 0 : i32
    %dma_start3A_36 = arith.constant 0 : i32
    %dma_start3A_37 = tpu.memref_slice %arg7[%dma_start3A_35, %dma_start3A_36] : memref<1001x128xf32, #tpu.memory_space<vmem_shared>> -> memref<1001x128xf32, #tpu.memory_space<vmem_shared>>
    tpu.enqueue_indirect_dma source(%dma_start3A_37 : memref<1001x128xf32, #tpu.memory_space<vmem_shared>>) target(%dma_start3A_31 : memref<64x128xf32, #tpu.memory_space<vmem>>) offsets(%dma_start3A_34 : memref<64xi32, #tpu.memory_space<vmem>>) semaphore(%arg9 : memref<!tpu.dma_semaphore, #tpu.memory_space<semaphore_mem>>)
    %dma_start3A_38 = arith.constant 1 : i32
    %dma_start3A_39 = arith.constant 128 : i32
    %dma_start3A_40 = arith.constant 0 : i32
    %dma_start3A_41 = tpu.memref_slice %arg6[%dma_start3A_39, %dma_start3A_40] : memref<512x128xf32, #tpu.memory_space<vmem>> -> memref<64x128xf32, #tpu.memory_space<vmem>>
    %dma_start3A_42 = arith.constant 0 : i32
    %dma_start3A_43 = tpu.memref_slice %arg5[%dma_start3A_38, %dma_start3A_42] : memref<4x128xi32, #tpu.memory_space<vmem>> -> memref<1x64xi32, #tpu.memory_space<vmem>>
    %dma_start3A_44 = tpu.memref_squeeze %dma_start3A_43 : memref<1x64xi32, #tpu.memory_space<vmem>> -> memref<64xi32, #tpu.memory_space<vmem>>
    %dma_start3A_45 = arith.constant 0 : i32
    %dma_start3A_46 = arith.constant 0 : i32
    %dma_start3A_47 = tpu.memref_slice %arg7[%dma_start3A_45, %dma_start3A_46] : memref<1001x128xf32, #tpu.memory_space<vmem_shared>> -> memref<1001x128xf32, #tpu.memory_space<vmem_shared>>
    tpu.enqueue_indirect_dma source(%dma_start3A_47 : memref<1001x128xf32, #tpu.memory_space<vmem_shared>>) target(%dma_start3A_41 : memref<64x128xf32, #tpu.memory_space<vmem>>) offsets(%dma_start3A_44 : memref<64xi32, #tpu.memory_space<vmem>>) semaphore(%arg10 : memref<!tpu.dma_semaphore, #tpu.memory_space<semaphore_mem>>)
    %dma_start3A_48 = arith.constant 1 : i32
    %dma_start3A_49 = arith.constant 192 : i32
    %dma_start3A_50 = arith.constant 0 : i32
    %dma_start3A_51 = tpu.memref_slice %arg6[%dma_start3A_49, %dma_start3A_50] : memref<512x128xf32, #tpu.memory_space<vmem>> -> memref<64x128xf32, #tpu.memory_space<vmem>>
    %dma_start3A_52 = arith.constant 64 : i32
    %dma_start3A_53 = tpu.memref_slice %arg5[%dma_start3A_48, %dma_start3A_52] : memref<4x128xi32, #tpu.memory_space<vmem>> -> memref<1x64xi32, #tpu.memory_space<vmem>>
    %dma_start3A_54 = tpu.memref_squeeze %dma_start3A_53 : memref<1x64xi32, #tpu.memory_space<vmem>> -> memref<64xi32, #tpu.memory_space<vmem>>
    %dma_start3A_55 = arith.constant 0 : i32
    %dma_start3A_56 = arith.constant 0 : i32
    %dma_start3A_57 = tpu.memref_slice %arg7[%dma_start3A_55, %dma_start3A_56] : memref<1001x128xf32, #tpu.memory_space<vmem_shared>> -> memref<1001x128xf32, #tpu.memory_space<vmem_shared>>
    tpu.enqueue_indirect_dma source(%dma_start3A_57 : memref<1001x128xf32, #tpu.memory_space<vmem_shared>>) target(%dma_start3A_51 : memref<64x128xf32, #tpu.memory_space<vmem>>) offsets(%dma_start3A_54 : memref<64xi32, #tpu.memory_space<vmem>>) semaphore(%arg11 : memref<!tpu.dma_semaphore, #tpu.memory_space<semaphore_mem>>)
    %dma_start3A_58 = arith.constant 2 : i32
    %dma_start3A_59 = arith.constant 256 : i32
    %dma_start3A_60 = arith.constant 0 : i32
    %dma_start3A_61 = tpu.memref_slice %arg6[%dma_start3A_59, %dma_start3A_60] : memref<512x128xf32, #tpu.memory_space<vmem>> -> memref<64x128xf32, #tpu.memory_space<vmem>>
    %dma_start3A_62 = arith.constant 0 : i32
    %dma_start3A_63 = tpu.memref_slice %arg5[%dma_start3A_58, %dma_start3A_62] : memref<4x128xi32, #tpu.memory_space<vmem>> -> memref<1x64xi32, #tpu.memory_space<vmem>>
    %dma_start3A_64 = tpu.memref_squeeze %dma_start3A_63 : memref<1x64xi32, #tpu.memory_space<vmem>> -> memref<64xi32, #tpu.memory_space<vmem>>
    %dma_start3A_65 = arith.constant 0 : i32
    %dma_start3A_66 = arith.constant 0 : i32
    %dma_start3A_67 = tpu.memref_slice %arg7[%dma_start3A_65, %dma_start3A_66] : memref<1001x128xf32, #tpu.memory_space<vmem_shared>> -> memref<1001x128xf32, #tpu.memory_space<vmem_shared>>
    tpu.enqueue_indirect_dma source(%dma_start3A_67 : memref<1001x128xf32, #tpu.memory_space<vmem_shared>>) target(%dma_start3A_61 : memref<64x128xf32, #tpu.memory_space<vmem>>) offsets(%dma_start3A_64 : memref<64xi32, #tpu.memory_space<vmem>>) semaphore(%arg12 : memref<!tpu.dma_semaphore, #tpu.memory_space<semaphore_mem>>)
    %dma_start3A_68 = arith.constant 2 : i32
    %dma_start3A_69 = arith.constant 320 : i32
    %dma_start3A_70 = arith.constant 0 : i32
    %dma_start3A_71 = tpu.memref_slice %arg6[%dma_start3A_69, %dma_start3A_70] : memref<512x128xf32, #tpu.memory_space<vmem>> -> memref<64x128xf32, #tpu.memory_space<vmem>>
    %dma_start3A_72 = arith.constant 64 : i32
    %dma_start3A_73 = tpu.memref_slice %arg5[%dma_start3A_68, %dma_start3A_72] : memref<4x128xi32, #tpu.memory_space<vmem>> -> memref<1x64xi32, #tpu.memory_space<vmem>>
    %dma_start3A_74 = tpu.memref_squeeze %dma_start3A_73 : memref<1x64xi32, #tpu.memory_space<vmem>> -> memref<64xi32, #tpu.memory_space<vmem>>
    %dma_start3A_75 = arith.constant 0 : i32
    %dma_start3A_76 = arith.constant 0 : i32
    %dma_start3A_77 = tpu.memref_slice %arg7[%dma_start3A_75, %dma_start3A_76] : memref<1001x128xf32, #tpu.memory_space<vmem_shared>> -> memref<1001x128xf32, #tpu.memory_space<vmem_shared>>
    tpu.enqueue_indirect_dma source(%dma_start3A_77 : memref<1001x128xf32, #tpu.memory_space<vmem_shared>>) target(%dma_start3A_71 : memref<64x128xf32, #tpu.memory_space<vmem>>) offsets(%dma_start3A_74 : memref<64xi32, #tpu.memory_space<vmem>>) semaphore(%arg13 : memref<!tpu.dma_semaphore, #tpu.memory_space<semaphore_mem>>)
    %dma_start3A_78 = arith.constant 3 : i32
    %dma_start3A_79 = arith.constant 384 : i32
    %dma_start3A_80 = arith.constant 0 : i32
    %dma_start3A_81 = tpu.memref_slice %arg6[%dma_start3A_79, %dma_start3A_80] : memref<512x128xf32, #tpu.memory_space<vmem>> -> memref<64x128xf32, #tpu.memory_space<vmem>>
    %dma_start3A_82 = arith.constant 0 : i32
    %dma_start3A_83 = tpu.memref_slice %arg5[%dma_start3A_78, %dma_start3A_82] : memref<4x128xi32, #tpu.memory_space<vmem>> -> memref<1x64xi32, #tpu.memory_space<vmem>>
    %dma_start3A_84 = tpu.memref_squeeze %dma_start3A_83 : memref<1x64xi32, #tpu.memory_space<vmem>> -> memref<64xi32, #tpu.memory_space<vmem>>
    %dma_start3A_85 = arith.constant 0 : i32
    %dma_start3A_86 = arith.constant 0 : i32
    %dma_start3A_87 = tpu.memref_slice %arg7[%dma_start3A_85, %dma_start3A_86] : memref<1001x128xf32, #tpu.memory_space<vmem_shared>> -> memref<1001x128xf32, #tpu.memory_space<vmem_shared>>
    tpu.enqueue_indirect_dma source(%dma_start3A_87 : memref<1001x128xf32, #tpu.memory_space<vmem_shared>>) target(%dma_start3A_81 : memref<64x128xf32, #tpu.memory_space<vmem>>) offsets(%dma_start3A_84 : memref<64xi32, #tpu.memory_space<vmem>>) semaphore(%arg14 : memref<!tpu.dma_semaphore, #tpu.memory_space<semaphore_mem>>)
    %dma_start3A_88 = arith.constant 3 : i32
    %dma_start3A_89 = arith.constant 448 : i32
    %dma_start3A_90 = arith.constant 0 : i32
    %dma_start3A_91 = tpu.memref_slice %arg6[%dma_start3A_89, %dma_start3A_90] : memref<512x128xf32, #tpu.memory_space<vmem>> -> memref<64x128xf32, #tpu.memory_space<vmem>>
    %dma_start3A_92 = arith.constant 64 : i32
    %dma_start3A_93 = tpu.memref_slice %arg5[%dma_start3A_88, %dma_start3A_92] : memref<4x128xi32, #tpu.memory_space<vmem>> -> memref<1x64xi32, #tpu.memory_space<vmem>>
    %dma_start3A_94 = tpu.memref_squeeze %dma_start3A_93 : memref<1x64xi32, #tpu.memory_space<vmem>> -> memref<64xi32, #tpu.memory_space<vmem>>
    %dma_start3A_95 = arith.constant 0 : i32
    %dma_start3A_96 = arith.constant 0 : i32
    %dma_start3A_97 = tpu.memref_slice %arg7[%dma_start3A_95, %dma_start3A_96] : memref<1001x128xf32, #tpu.memory_space<vmem_shared>> -> memref<1001x128xf32, #tpu.memory_space<vmem_shared>>
    tpu.enqueue_indirect_dma source(%dma_start3A_97 : memref<1001x128xf32, #tpu.memory_space<vmem_shared>>) target(%dma_start3A_91 : memref<64x128xf32, #tpu.memory_space<vmem>>) offsets(%dma_start3A_94 : memref<64xi32, #tpu.memory_space<vmem>>) semaphore(%arg15 : memref<!tpu.dma_semaphore, #tpu.memory_space<semaphore_mem>>)
    %dma_wait3A = arith.constant 0 : i32
    %dma_wait3A_98 = arith.constant 0 : i32
    %dma_wait3A_99 = arith.constant 0 : i32
    %dma_wait3A_100 = tpu.memref_slice %arg6[%dma_wait3A_98, %dma_wait3A_99] : memref<512x128xf32, #tpu.memory_space<vmem>> -> memref<64x128xf32, #tpu.memory_space<vmem>>
    %dma_wait3A_101 = arith.constant 0 : i32
    %dma_wait3A_102 = tpu.memref_slice %arg5[%dma_wait3A, %dma_wait3A_101] : memref<4x128xi32, #tpu.memory_space<vmem>> -> memref<1x64xi32, #tpu.memory_space<vmem>>
    %dma_wait3A_103 = tpu.memref_squeeze %dma_wait3A_102 : memref<1x64xi32, #tpu.memory_space<vmem>> -> memref<64xi32, #tpu.memory_space<vmem>>
    %dma_wait3A_104 = arith.constant 0 : i32
    %dma_wait3A_105 = arith.constant 0 : i32
    %dma_wait3A_106 = tpu.memref_slice %arg2[%dma_wait3A_104, %dma_wait3A_105] : memref<1001x128xf32, #tpu.memory_space<hbm>> -> memref<1001x128xf32, #tpu.memory_space<hbm>>
    tpu.wait_indirect_dma semaphore(%arg8 : memref<!tpu.dma_semaphore, #tpu.memory_space<semaphore_mem>>) src(%dma_wait3A_106 : memref<1001x128xf32, #tpu.memory_space<hbm>>) dst(%dma_wait3A_100 : memref<64x128xf32, #tpu.memory_space<vmem>>)
    %dma_wait3A_107 = arith.constant 0 : i32
    %dma_wait3A_108 = arith.constant 64 : i32
    %dma_wait3A_109 = arith.constant 0 : i32
    %dma_wait3A_110 = tpu.memref_slice %arg6[%dma_wait3A_108, %dma_wait3A_109] : memref<512x128xf32, #tpu.memory_space<vmem>> -> memref<64x128xf32, #tpu.memory_space<vmem>>
    %dma_wait3A_111 = arith.constant 64 : i32
    %dma_wait3A_112 = tpu.memref_slice %arg5[%dma_wait3A_107, %dma_wait3A_111] : memref<4x128xi32, #tpu.memory_space<vmem>> -> memref<1x64xi32, #tpu.memory_space<vmem>>
    %dma_wait3A_113 = tpu.memref_squeeze %dma_wait3A_112 : memref<1x64xi32, #tpu.memory_space<vmem>> -> memref<64xi32, #tpu.memory_space<vmem>>
    %dma_wait3A_114 = arith.constant 0 : i32
    %dma_wait3A_115 = arith.constant 0 : i32
    %dma_wait3A_116 = tpu.memref_slice %arg7[%dma_wait3A_114, %dma_wait3A_115] : memref<1001x128xf32, #tpu.memory_space<vmem_shared>> -> memref<1001x128xf32, #tpu.memory_space<vmem_shared>>
    tpu.wait_indirect_dma semaphore(%arg9 : memref<!tpu.dma_semaphore, #tpu.memory_space<semaphore_mem>>) src(%dma_wait3A_116 : memref<1001x128xf32, #tpu.memory_space<vmem_shared>>) dst(%dma_wait3A_110 : memref<64x128xf32, #tpu.memory_space<vmem>>)
    %mul3A_117 = arith.constant 512 : i32
    %mul3A_118 = arith.muli %add3A, %mul3A_117 : i32
    %add3A_119 = arith.constant 0 : i32
    %add3A_120 = arith.addi %mul3A_118, %add3A_119 : i32
    %dma_start3A_121 = arith.constant 0 : i32
    %dma_start3A_122 = arith.constant 0 : i32
    %dma_start3A_123 = tpu.memref_slice %arg6[%dma_start3A_121, %dma_start3A_122] : memref<512x128xf32, #tpu.memory_space<vmem>> -> memref<128x128xf32, #tpu.memory_space<vmem>>
    %dma_start3A_124 = arith.constant 0 : i32
    %dma_start3A_125 = tpu.memref_slice %arg4[%add3A_120, %dma_start3A_124] : memref<16384x128xf32, #tpu.memory_space<hbm>> -> memref<128x128xf32, #tpu.memory_space<hbm>>
    %dma_start3A_126 = arith.constant 0 : i32
    %dma_start3A_127 = tpu.memref_slice %arg4[%add3A_120, %dma_start3A_126] : memref<16384x128xf32, #tpu.memory_space<hbm>> -> memref<128x128xf32, #tpu.memory_space<hbm>>
    %dma_start3A_128 = arith.constant 0 : i32
    %dma_start3A_129 = arith.constant 0 : i32
    %dma_start3A_130 = tpu.memref_slice %arg6[%dma_start3A_128, %dma_start3A_129] : memref<512x128xf32, #tpu.memory_space<vmem>> -> memref<128x128xf32, #tpu.memory_space<vmem>>
    tpu.enqueue_dma source(%dma_start3A_130 : memref<128x128xf32, #tpu.memory_space<vmem>>) target(%dma_start3A_127 : memref<128x128xf32, #tpu.memory_space<hbm>>) target_semaphore(%arg16 : memref<!tpu.dma_semaphore, #tpu.memory_space<semaphore_mem>>)
    %dma_wait3A_131 = arith.constant 1 : i32
    %dma_wait3A_132 = arith.constant 128 : i32
    %dma_wait3A_133 = arith.constant 0 : i32
    %dma_wait3A_134 = tpu.memref_slice %arg6[%dma_wait3A_132, %dma_wait3A_133] : memref<512x128xf32, #tpu.memory_space<vmem>> -> memref<64x128xf32, #tpu.memory_space<vmem>>
    %dma_wait3A_135 = arith.constant 0 : i32
    %dma_wait3A_136 = tpu.memref_slice %arg5[%dma_wait3A_131, %dma_wait3A_135] : memref<4x128xi32, #tpu.memory_space<vmem>> -> memref<1x64xi32, #tpu.memory_space<vmem>>
    %dma_wait3A_137 = tpu.memref_squeeze %dma_wait3A_136 : memref<1x64xi32, #tpu.memory_space<vmem>> -> memref<64xi32, #tpu.memory_space<vmem>>
    %dma_wait3A_138 = arith.constant 0 : i32
    %dma_wait3A_139 = arith.constant 0 : i32
    %dma_wait3A_140 = tpu.memref_slice %arg7[%dma_wait3A_138, %dma_wait3A_139] : memref<1001x128xf32, #tpu.memory_space<vmem_shared>> -> memref<1001x128xf32, #tpu.memory_space<vmem_shared>>
    tpu.wait_indirect_dma semaphore(%arg10 : memref<!tpu.dma_semaphore, #tpu.memory_space<semaphore_mem>>) src(%dma_wait3A_140 : memref<1001x128xf32, #tpu.memory_space<vmem_shared>>) dst(%dma_wait3A_134 : memref<64x128xf32, #tpu.memory_space<vmem>>)
    %dma_wait3A_141 = arith.constant 1 : i32
    %dma_wait3A_142 = arith.constant 192 : i32
    %dma_wait3A_143 = arith.constant 0 : i32
    %dma_wait3A_144 = tpu.memref_slice %arg6[%dma_wait3A_142, %dma_wait3A_143] : memref<512x128xf32, #tpu.memory_space<vmem>> -> memref<64x128xf32, #tpu.memory_space<vmem>>
    %dma_wait3A_145 = arith.constant 64 : i32
    %dma_wait3A_146 = tpu.memref_slice %arg5[%dma_wait3A_141, %dma_wait3A_145] : memref<4x128xi32, #tpu.memory_space<vmem>> -> memref<1x64xi32, #tpu.memory_space<vmem>>
    %dma_wait3A_147 = tpu.memref_squeeze %dma_wait3A_146 : memref<1x64xi32, #tpu.memory_space<vmem>> -> memref<64xi32, #tpu.memory_space<vmem>>
    %dma_wait3A_148 = arith.constant 0 : i32
    %dma_wait3A_149 = arith.constant 0 : i32
    %dma_wait3A_150 = tpu.memref_slice %arg7[%dma_wait3A_148, %dma_wait3A_149] : memref<1001x128xf32, #tpu.memory_space<vmem_shared>> -> memref<1001x128xf32, #tpu.memory_space<vmem_shared>>
    tpu.wait_indirect_dma semaphore(%arg11 : memref<!tpu.dma_semaphore, #tpu.memory_space<semaphore_mem>>) src(%dma_wait3A_150 : memref<1001x128xf32, #tpu.memory_space<vmem_shared>>) dst(%dma_wait3A_144 : memref<64x128xf32, #tpu.memory_space<vmem>>)
    %mul3A_151 = arith.constant 512 : i32
    %mul3A_152 = arith.muli %add3A, %mul3A_151 : i32
    %add3A_153 = arith.constant 128 : i32
    %add3A_154 = arith.addi %mul3A_152, %add3A_153 : i32
    %dma_start3A_155 = arith.constant 128 : i32
    %dma_start3A_156 = arith.constant 0 : i32
    %dma_start3A_157 = tpu.memref_slice %arg6[%dma_start3A_155, %dma_start3A_156] : memref<512x128xf32, #tpu.memory_space<vmem>> -> memref<128x128xf32, #tpu.memory_space<vmem>>
    %dma_start3A_158 = arith.constant 0 : i32
    %dma_start3A_159 = tpu.memref_slice %arg4[%add3A_154, %dma_start3A_158] : memref<16384x128xf32, #tpu.memory_space<hbm>> -> memref<128x128xf32, #tpu.memory_space<hbm>>
    %dma_start3A_160 = arith.constant 0 : i32
    %dma_start3A_161 = tpu.memref_slice %arg4[%add3A_154, %dma_start3A_160] : memref<16384x128xf32, #tpu.memory_space<hbm>> -> memref<128x128xf32, #tpu.memory_space<hbm>>
    %dma_start3A_162 = arith.constant 128 : i32
    %dma_start3A_163 = arith.constant 0 : i32
    %dma_start3A_164 = tpu.memref_slice %arg6[%dma_start3A_162, %dma_start3A_163] : memref<512x128xf32, #tpu.memory_space<vmem>> -> memref<128x128xf32, #tpu.memory_space<vmem>>
    tpu.enqueue_dma source(%dma_start3A_164 : memref<128x128xf32, #tpu.memory_space<vmem>>) target(%dma_start3A_161 : memref<128x128xf32, #tpu.memory_space<hbm>>) target_semaphore(%arg16 : memref<!tpu.dma_semaphore, #tpu.memory_space<semaphore_mem>>)
    %dma_wait3A_165 = arith.constant 2 : i32
    %dma_wait3A_166 = arith.constant 256 : i32
    %dma_wait3A_167 = arith.constant 0 : i32
    %dma_wait3A_168 = tpu.memref_slice %arg6[%dma_wait3A_166, %dma_wait3A_167] : memref<512x128xf32, #tpu.memory_space<vmem>> -> memref<64x128xf32, #tpu.memory_space<vmem>>
    %dma_wait3A_169 = arith.constant 0 : i32
    %dma_wait3A_170 = tpu.memref_slice %arg5[%dma_wait3A_165, %dma_wait3A_169] : memref<4x128xi32, #tpu.memory_space<vmem>> -> memref<1x64xi32, #tpu.memory_space<vmem>>
    %dma_wait3A_171 = tpu.memref_squeeze %dma_wait3A_170 : memref<1x64xi32, #tpu.memory_space<vmem>> -> memref<64xi32, #tpu.memory_space<vmem>>
    %dma_wait3A_172 = arith.constant 0 : i32
    %dma_wait3A_173 = arith.constant 0 : i32
    %dma_wait3A_174 = tpu.memref_slice %arg7[%dma_wait3A_172, %dma_wait3A_173] : memref<1001x128xf32, #tpu.memory_space<vmem_shared>> -> memref<1001x128xf32, #tpu.memory_space<vmem_shared>>
    tpu.wait_indirect_dma semaphore(%arg12 : memref<!tpu.dma_semaphore, #tpu.memory_space<semaphore_mem>>) src(%dma_wait3A_174 : memref<1001x128xf32, #tpu.memory_space<vmem_shared>>) dst(%dma_wait3A_168 : memref<64x128xf32, #tpu.memory_space<vmem>>)
    %dma_wait3A_175 = arith.constant 2 : i32
    %dma_wait3A_176 = arith.constant 320 : i32
    %dma_wait3A_177 = arith.constant 0 : i32
    %dma_wait3A_178 = tpu.memref_slice %arg6[%dma_wait3A_176, %dma_wait3A_177] : memref<512x128xf32, #tpu.memory_space<vmem>> -> memref<64x128xf32, #tpu.memory_space<vmem>>
    %dma_wait3A_179 = arith.constant 64 : i32
    %dma_wait3A_180 = tpu.memref_slice %arg5[%dma_wait3A_175, %dma_wait3A_179] : memref<4x128xi32, #tpu.memory_space<vmem>> -> memref<1x64xi32, #tpu.memory_space<vmem>>
    %dma_wait3A_181 = tpu.memref_squeeze %dma_wait3A_180 : memref<1x64xi32, #tpu.memory_space<vmem>> -> memref<64xi32, #tpu.memory_space<vmem>>
    %dma_wait3A_182 = arith.constant 0 : i32
    %dma_wait3A_183 = arith.constant 0 : i32
    %dma_wait3A_184 = tpu.memref_slice %arg7[%dma_wait3A_182, %dma_wait3A_183] : memref<1001x128xf32, #tpu.memory_space<vmem_shared>> -> memref<1001x128xf32, #tpu.memory_space<vmem_shared>>
    tpu.wait_indirect_dma semaphore(%arg13 : memref<!tpu.dma_semaphore, #tpu.memory_space<semaphore_mem>>) src(%dma_wait3A_184 : memref<1001x128xf32, #tpu.memory_space<vmem_shared>>) dst(%dma_wait3A_178 : memref<64x128xf32, #tpu.memory_space<vmem>>)
    %mul3A_185 = arith.constant 512 : i32
    %mul3A_186 = arith.muli %add3A, %mul3A_185 : i32
    %add3A_187 = arith.constant 256 : i32
    %add3A_188 = arith.addi %mul3A_186, %add3A_187 : i32
    %dma_start3A_189 = arith.constant 256 : i32
    %dma_start3A_190 = arith.constant 0 : i32
    %dma_start3A_191 = tpu.memref_slice %arg6[%dma_start3A_189, %dma_start3A_190] : memref<512x128xf32, #tpu.memory_space<vmem>> -> memref<128x128xf32, #tpu.memory_space<vmem>>
    %dma_start3A_192 = arith.constant 0 : i32
    %dma_start3A_193 = tpu.memref_slice %arg4[%add3A_188, %dma_start3A_192] : memref<16384x128xf32, #tpu.memory_space<hbm>> -> memref<128x128xf32, #tpu.memory_space<hbm>>
    %dma_start3A_194 = arith.constant 0 : i32
    %dma_start3A_195 = tpu.memref_slice %arg4[%add3A_188, %dma_start3A_194] : memref<16384x128xf32, #tpu.memory_space<hbm>> -> memref<128x128xf32, #tpu.memory_space<hbm>>
    %dma_start3A_196 = arith.constant 256 : i32
    %dma_start3A_197 = arith.constant 0 : i32
    %dma_start3A_198 = tpu.memref_slice %arg6[%dma_start3A_196, %dma_start3A_197] : memref<512x128xf32, #tpu.memory_space<vmem>> -> memref<128x128xf32, #tpu.memory_space<vmem>>
    tpu.enqueue_dma source(%dma_start3A_198 : memref<128x128xf32, #tpu.memory_space<vmem>>) target(%dma_start3A_195 : memref<128x128xf32, #tpu.memory_space<hbm>>) target_semaphore(%arg16 : memref<!tpu.dma_semaphore, #tpu.memory_space<semaphore_mem>>)
    %dma_wait3A_199 = arith.constant 3 : i32
    %dma_wait3A_200 = arith.constant 384 : i32
    %dma_wait3A_201 = arith.constant 0 : i32
    %dma_wait3A_202 = tpu.memref_slice %arg6[%dma_wait3A_200, %dma_wait3A_201] : memref<512x128xf32, #tpu.memory_space<vmem>> -> memref<64x128xf32, #tpu.memory_space<vmem>>
    %dma_wait3A_203 = arith.constant 0 : i32
    %dma_wait3A_204 = tpu.memref_slice %arg5[%dma_wait3A_199, %dma_wait3A_203] : memref<4x128xi32, #tpu.memory_space<vmem>> -> memref<1x64xi32, #tpu.memory_space<vmem>>
    %dma_wait3A_205 = tpu.memref_squeeze %dma_wait3A_204 : memref<1x64xi32, #tpu.memory_space<vmem>> -> memref<64xi32, #tpu.memory_space<vmem>>
    %dma_wait3A_206 = arith.constant 0 : i32
    %dma_wait3A_207 = arith.constant 0 : i32
    %dma_wait3A_208 = tpu.memref_slice %arg7[%dma_wait3A_206, %dma_wait3A_207] : memref<1001x128xf32, #tpu.memory_space<vmem_shared>> -> memref<1001x128xf32, #tpu.memory_space<vmem_shared>>
    tpu.wait_indirect_dma semaphore(%arg14 : memref<!tpu.dma_semaphore, #tpu.memory_space<semaphore_mem>>) src(%dma_wait3A_208 : memref<1001x128xf32, #tpu.memory_space<vmem_shared>>) dst(%dma_wait3A_202 : memref<64x128xf32, #tpu.memory_space<vmem>>)
    %dma_wait3A_209 = arith.constant 3 : i32
    %dma_wait3A_210 = arith.constant 448 : i32
    %dma_wait3A_211 = arith.constant 0 : i32
    %dma_wait3A_212 = tpu.memref_slice %arg6[%dma_wait3A_210, %dma_wait3A_211] : memref<512x128xf32, #tpu.memory_space<vmem>> -> memref<64x128xf32, #tpu.memory_space<vmem>>
    %dma_wait3A_213 = arith.constant 64 : i32
    %dma_wait3A_214 = tpu.memref_slice %arg5[%dma_wait3A_209, %dma_wait3A_213] : memref<4x128xi32, #tpu.memory_space<vmem>> -> memref<1x64xi32, #tpu.memory_space<vmem>>
    %dma_wait3A_215 = tpu.memref_squeeze %dma_wait3A_214 : memref<1x64xi32, #tpu.memory_space<vmem>> -> memref<64xi32, #tpu.memory_space<vmem>>
    %dma_wait3A_216 = arith.constant 0 : i32
    %dma_wait3A_217 = arith.constant 0 : i32
    %dma_wait3A_218 = tpu.memref_slice %arg7[%dma_wait3A_216, %dma_wait3A_217] : memref<1001x128xf32, #tpu.memory_space<vmem_shared>> -> memref<1001x128xf32, #tpu.memory_space<vmem_shared>>
    tpu.wait_indirect_dma semaphore(%arg15 : memref<!tpu.dma_semaphore, #tpu.memory_space<semaphore_mem>>) src(%dma_wait3A_218 : memref<1001x128xf32, #tpu.memory_space<vmem_shared>>) dst(%dma_wait3A_212 : memref<64x128xf32, #tpu.memory_space<vmem>>)
    %mul3A_219 = arith.constant 512 : i32
    %mul3A_220 = arith.muli %add3A, %mul3A_219 : i32
    %add3A_221 = arith.constant 384 : i32
    %add3A_222 = arith.addi %mul3A_220, %add3A_221 : i32
    %dma_start3A_223 = arith.constant 384 : i32
    %dma_start3A_224 = arith.constant 0 : i32
    %dma_start3A_225 = tpu.memref_slice %arg6[%dma_start3A_223, %dma_start3A_224] : memref<512x128xf32, #tpu.memory_space<vmem>> -> memref<128x128xf32, #tpu.memory_space<vmem>>
    %dma_start3A_226 = arith.constant 0 : i32
    %dma_start3A_227 = tpu.memref_slice %arg4[%add3A_222, %dma_start3A_226] : memref<16384x128xf32, #tpu.memory_space<hbm>> -> memref<128x128xf32, #tpu.memory_space<hbm>>
    %dma_start3A_228 = arith.constant 0 : i32
    %dma_start3A_229 = tpu.memref_slice %arg4[%add3A_222, %dma_start3A_228] : memref<16384x128xf32, #tpu.memory_space<hbm>> -> memref<128x128xf32, #tpu.memory_space<hbm>>
    %dma_start3A_230 = arith.constant 384 : i32
    %dma_start3A_231 = arith.constant 0 : i32
    %dma_start3A_232 = tpu.memref_slice %arg6[%dma_start3A_230, %dma_start3A_231] : memref<512x128xf32, #tpu.memory_space<vmem>> -> memref<128x128xf32, #tpu.memory_space<vmem>>
    tpu.enqueue_dma source(%dma_start3A_232 : memref<128x128xf32, #tpu.memory_space<vmem>>) target(%dma_start3A_229 : memref<128x128xf32, #tpu.memory_space<hbm>>) target_semaphore(%arg16 : memref<!tpu.dma_semaphore, #tpu.memory_space<semaphore_mem>>)
    %dma_wait3A_233 = arith.constant 0 : i32
    %dma_wait3A_234 = arith.constant 0 : i32
    %dma_wait3A_235 = tpu.memref_slice %arg6[%dma_wait3A_233, %dma_wait3A_234] : memref<512x128xf32, #tpu.memory_space<vmem>> -> memref<128x128xf32, #tpu.memory_space<vmem>>
    %dma_wait3A_236 = arith.constant 0 : i32
    %dma_wait3A_237 = tpu.memref_slice %arg4[%add3A_120, %dma_wait3A_236] : memref<16384x128xf32, #tpu.memory_space<hbm>> -> memref<128x128xf32, #tpu.memory_space<hbm>>
    %dma_wait3A_238 = arith.constant 0 : i32
    %dma_wait3A_239 = tpu.memref_slice %arg4[%add3A_120, %dma_wait3A_238] : memref<16384x128xf32, #tpu.memory_space<hbm>> -> memref<128x128xf32, #tpu.memory_space<hbm>>
    %dma_wait3A_240 = arith.constant 0 : i32
    %dma_wait3A_241 = arith.constant 0 : i32
    %dma_wait3A_242 = tpu.memref_slice %arg6[%dma_wait3A_240, %dma_wait3A_241] : memref<512x128xf32, #tpu.memory_space<vmem>> -> memref<128x128xf32, #tpu.memory_space<vmem>>
    tpu.wait_dma2 semaphore(%arg16 : memref<!tpu.dma_semaphore, #tpu.memory_space<semaphore_mem>>) src(%dma_wait3A_242 : memref<128x128xf32, #tpu.memory_space<vmem>>) dst(%dma_wait3A_239 : memref<128x128xf32, #tpu.memory_space<hbm>>)
    %dma_wait3A_243 = arith.constant 128 : i32
    %dma_wait3A_244 = arith.constant 0 : i32
    %dma_wait3A_245 = tpu.memref_slice %arg6[%dma_wait3A_243, %dma_wait3A_244] : memref<512x128xf32, #tpu.memory_space<vmem>> -> memref<128x128xf32, #tpu.memory_space<vmem>>
    %dma_wait3A_246 = arith.constant 0 : i32
    %dma_wait3A_247 = tpu.memref_slice %arg4[%add3A_154, %dma_wait3A_246] : memref<16384x128xf32, #tpu.memory_space<hbm>> -> memref<128x128xf32, #tpu.memory_space<hbm>>
    %dma_wait3A_248 = arith.constant 0 : i32
    %dma_wait3A_249 = tpu.memref_slice %arg4[%add3A_154, %dma_wait3A_248] : memref<16384x128xf32, #tpu.memory_space<hbm>> -> memref<128x128xf32, #tpu.memory_space<hbm>>
    %dma_wait3A_250 = arith.constant 128 : i32
    %dma_wait3A_251 = arith.constant 0 : i32
    %dma_wait3A_252 = tpu.memref_slice %arg6[%dma_wait3A_250, %dma_wait3A_251] : memref<512x128xf32, #tpu.memory_space<vmem>> -> memref<128x128xf32, #tpu.memory_space<vmem>>
    tpu.wait_dma2 semaphore(%arg16 : memref<!tpu.dma_semaphore, #tpu.memory_space<semaphore_mem>>) src(%dma_wait3A_252 : memref<128x128xf32, #tpu.memory_space<vmem>>) dst(%dma_wait3A_249 : memref<128x128xf32, #tpu.memory_space<hbm>>)
    %dma_wait3A_253 = arith.constant 256 : i32
    %dma_wait3A_254 = arith.constant 0 : i32
    %dma_wait3A_255 = tpu.memref_slice %arg6[%dma_wait3A_253, %dma_wait3A_254] : memref<512x128xf32, #tpu.memory_space<vmem>> -> memref<128x128xf32, #tpu.memory_space<vmem>>
    %dma_wait3A_256 = arith.constant 0 : i32
    %dma_wait3A_257 = tpu.memref_slice %arg4[%add3A_188, %dma_wait3A_256] : memref<16384x128xf32, #tpu.memory_space<hbm>> -> memref<128x128xf32, #tpu.memory_space<hbm>>
    %dma_wait3A_258 = arith.constant 0 : i32
    %dma_wait3A_259 = tpu.memref_slice %arg4[%add3A_188, %dma_wait3A_258] : memref<16384x128xf32, #tpu.memory_space<hbm>> -> memref<128x128xf32, #tpu.memory_space<hbm>>
    %dma_wait3A_260 = arith.constant 256 : i32
    %dma_wait3A_261 = arith.constant 0 : i32
    %dma_wait3A_262 = tpu.memref_slice %arg6[%dma_wait3A_260, %dma_wait3A_261] : memref<512x128xf32, #tpu.memory_space<vmem>> -> memref<128x128xf32, #tpu.memory_space<vmem>>
    tpu.wait_dma2 semaphore(%arg16 : memref<!tpu.dma_semaphore, #tpu.memory_space<semaphore_mem>>) src(%dma_wait3A_262 : memref<128x128xf32, #tpu.memory_space<vmem>>) dst(%dma_wait3A_259 : memref<128x128xf32, #tpu.memory_space<hbm>>)
    %dma_wait3A_263 = arith.constant 384 : i32
    %dma_wait3A_264 = arith.constant 0 : i32
    %dma_wait3A_265 = tpu.memref_slice %arg6[%dma_wait3A_263, %dma_wait3A_264] : memref<512x128xf32, #tpu.memory_space<vmem>> -> memref<128x128xf32, #tpu.memory_space<vmem>>
    %dma_wait3A_266 = arith.constant 0 : i32
    %dma_wait3A_267 = tpu.memref_slice %arg4[%add3A_222, %dma_wait3A_266] : memref<16384x128xf32, #tpu.memory_space<hbm>> -> memref<128x128xf32, #tpu.memory_space<hbm>>
    %dma_wait3A_268 = arith.constant 0 : i32
    %dma_wait3A_269 = tpu.memref_slice %arg4[%add3A_222, %dma_wait3A_268] : memref<16384x128xf32, #tpu.memory_space<hbm>> -> memref<128x128xf32, #tpu.memory_space<hbm>>
    %dma_wait3A_270 = arith.constant 384 : i32
    %dma_wait3A_271 = arith.constant 0 : i32
    %dma_wait3A_272 = tpu.memref_slice %arg6[%dma_wait3A_270, %dma_wait3A_271] : memref<512x128xf32, #tpu.memory_space<vmem>> -> memref<128x128xf32, #tpu.memory_space<vmem>>
    tpu.wait_dma2 semaphore(%arg16 : memref<!tpu.dma_semaphore, #tpu.memory_space<semaphore_mem>>) src(%dma_wait3A_272 : memref<128x128xf32, #tpu.memory_space<vmem>>) dst(%dma_wait3A_269 : memref<128x128xf32, #tpu.memory_space<hbm>>)
    return
  }
}

</mosaic_0001>

<sc_bundles>
// kernel: kernel.3.cloned.1.call-start
scs
__scs_entry_jumppad:
0x0: {  	(pc) =	sbr.rel $0x88, $3  }
0x1: {  	(tag) =	ssettag $0x0;
	lr =	simm.s32 $0x1  }
0x2: {  	[smem:$0x3F9F] =	sst lr;
	_ =	strace $0xD0000000  }
0x3: {  	_ = 	snop  }
0x4: {  	_ = 	snop  }
0x5: {  	_ = 	snop  }
0x6: {  	_ = 	snop  }
0x7: {  	_ = 	snop  }
__scs_overlays_trampoline_lowered:
0x8: {  	[smem:$0x3FAE] =	sst s0  }
0x9: {  	[smem:$0x3FAF] =	sst s1  }
0xa: {  	[smem:$0x3FB0] =	sst s2  }
0xb: {  	[smem:$0x3FB1] =	sst s3  }
0xc: {  	[smem:$0x3FB2] =	sst s4  }
0xd: {  	[smem:$0x3FB3] =	sst s5  }
0xe: {  	[smem:$0x3FB4] =	sst s6  }
0xf: {  	[smem:$0x3FB5] =	sst s7  }
0x10: {  	[smem:$0x3FB6] =	sst s8  }
0x11: {  	[smem:$0x3FB7] =	sst s9;
	s0 =	simm.s32 @!p0 $0x0  }
0x12: {  	s1 =	sld [smem:$0x3F9D];
	s0 =	simm.s32 @p0 $0x1  }
0x13: {  	[smem:$0x3FB8] =	sst s0;
	s0 =	simm.s32 @!p1 $0x0  }
0x14: {  	s2 =	sld [smem:$0x3F9C];
	s0 =	simm.s32 @p1 $0x1  }
0x15: {  	[smem:$0x3FB9] =	sst s0;
	s0 =	simm.s32 @!p2 $0x0  }
0x16: {  	s3 =	sld [smem:$0x3FDB];
	s0 =	simm.s32 @p2 $0x1  }
0x17: {  	s4 =	simm.s32 $0x1BF5;
	[smem:$0x3FBB] =	sst s0  }
0x18: {  	s0 =	sld [smem:$0x3F9E];
	_ =	swait.ge [sflag:s4], $0x0  }
0x19: {  	s7 =	sld [smem:$0x3F9F]  }
0x1a: {  	s8 =	sadd.s32 $0xFFFFE003, lr  }
0x1b: {  	s9 =	sadd.s32 $0xFFFFFEF7, lr;
	s5 =	simm.s32 $0xFFFFFFFF;
	p2 =	slt.u32 s8, $0xFFFFF086  }
0x1c: {  	p1 =	slt.u32 s9, $0xF7A;
	s5 =	simm.s32 @!p2 $0x0  }
0x1d: {  	s5 =	simm.s32 @p1 $0x1;
	p0 =	seq.s32 s7, s2  }
0x1e: {  	s7 =	smul.u32 @!p0 $0xF7A, s2;
	p2 =	seq.s32 @!p0 s5, $0x0  }
0x1f: {  	s9 =	smul.u32 $0xF7A, s1;
	s8 =	simm.s32 @!p0 $0x1BF5;
	p2 =	por !p2, p0  }
0x20: {  	[sflag:s8] =	ssyncset.s32 @!p0 $0xFFFFF086;
	s6 =	sadd.s32 @!p0 s3, s7;
	s7 =	simm.s32 @!p0 $0x108  }
0x21: {  	s3 =	sadd.s32 s3, s9;
	s6 =	sadd.s32 @!p0 $0x88, s6;
	s7 =	simm.s32 @p2 $0x1082  }
0x22: {  	[simem:s7], [sflag:s8] =	dma.local @!p0 [hbm:s6], $0xF7A  }
0x23: {  	s9 =	sor.u32 $0xD0000000, s2;
	s6 =	simm.s32 $0x108;
	_ =	swait.ge @!p0 [sflag:s8], $0x0  }
0x24: {  	s3 =	sadd.s32 $0x88, s3;
	s6 =	simm.s32 @!p1 $0x1082;
	[sflag:s4] =	ssyncset.s32 $0xFFFFF086  }
0x25: {  	[simem:s6], [sflag:s4] =	dma.local [hbm:s3], $0xF7A  }
0x26: {  	[smem:$0x3F9F] =	sst s1;
	(tag) =	ssettag s2;
	_ =	strace s9  }
0x27: {  	s1 =	sld [smem:$0x3FAF]  }
0x28: {  	s2 =	sld [smem:$0x3FB0]  }
0x29: {  	s4 =	sld [smem:$0x3FB2]  }
0x2a: {  	p0 =	seq.s32 s5, $0x0;
	s5 =	sld [smem:$0x3FB3]  }
0x2b: {  	s6 =	sld [smem:$0x3FB4]  }
0x2c: {  	s7 =	sld [smem:$0x3FB5]  }
0x2d: {  	s3 =	simm.s32 $0x108;
	s8 =	sld [smem:$0x3FB6]  }
0x2e: {  	s3 =	simm.s32 @!p0 $0x1082;
	s9 =	sld [smem:$0x3FB7]  }
0x2f: {  	lr =	sadd.s32 s0, s3;
	s0 =	sld [smem:$0x3FAE]  }
0x30: {  	s3 =	sld [smem:$0x3FB1]  }
0x31: {  	[smem:$0x3FBA] =	sst s10  }
0x32: {  	s10 =	sld [smem:$0x3FB8];
	_ =	sdelay $0x3  }
0x33: {  	p0 =	seq.s32 s10, $0x1;
	s10 =	sld [smem:$0x3FBA];
	_ =	sdelay $0x3  }
0x34: {  	[smem:$0x3FBA] =	sst s10  }
0x35: {  	s10 =	sld [smem:$0x3FB9];
	_ =	sdelay $0x3  }
0x36: {  	p1 =	seq.s32 s10, $0x1;
	s10 =	sld [smem:$0x3FBA];
	_ =	sdelay $0x3  }
0x37: {  	[smem:$0x3FBA] =	sst s10  }
0x38: {  	s10 =	sld [smem:$0x3FBB]  }
0x39: {  	_ = 	snop;
	(pc) =	sbr.ind lr, $3  }
0x3a: {  	_ = 	snop  }
0x3b: {  	_ = 	snop  }
0x3c: {  	p2 =	seq.s32 s10, $0x1;
	s10 =	sld [smem:$0x3FBA]  }
0x3d: {  	_ =	shalt  }
0x3e: {  	_ =	shalt  }
0x3f: {  	_ =	shalt  }
0x40: {  	_ =	shalt  }
0x41: {  	_ =	shalt  }
0x42: {  	_ =	shalt  }
0x43: {  	_ =	shalt  }
0x44: {  	_ =	shalt  }
0x45: {  	_ =	shalt  }
0x46: {  	_ =	shalt  }
0x47: {  	_ =	shalt  }
0x48: {  	_ =	shalt  }
0x49: {  	_ =	shalt  }
0x4a: {  	_ =	shalt  }
0x4b: {  	_ =	shalt  }
0x4c: {  	_ =	shalt  }
0x4d: {  	_ =	shalt  }
0x4e: {  	_ =	shalt  }
0x4f: {  	_ =	shalt  }
0x50: {  	_ =	shalt  }
0x51: {  	_ =	shalt  }
0x52: {  	_ =	shalt  }
0x53: {  	_ =	shalt  }
0x54: {  	_ =	shalt  }
0x55: {  	_ =	shalt  }
0x56: {  	_ =	shalt  }
0x57: {  	_ =	shalt  }
0x58: {  	_ =	shalt  }
0x59: {  	_ =	shalt  }
0x5a: {  	_ =	shalt  }
0x5b: {  	_ =	shalt  }
0x5c: {  	_ =	shalt  }
0x5d: {  	_ =	shalt  }
0x5e: {  	_ =	shalt  }
0x5f: {  	_ =	shalt  }
0x60: {  	_ =	shalt  }
0x61: {  	_ =	shalt  }
0x62: {  	_ =	shalt  }
0x63: {  	_ =	shalt  }
0x64: {  	_ =	shalt  }
0x65: {  	_ =	shalt  }
0x66: {  	_ =	shalt  }
0x67: {  	_ =	shalt  }
0x68: {  	_ =	shalt  }
0x69: {  	_ =	shalt  }
0x6a: {  	_ =	shalt  }
0x6b: {  	_ =	shalt  }
0x6c: {  	_ =	shalt  }
0x6d: {  	_ =	shalt  }
0x6e: {  	_ =	shalt  }
0x6f: {  	_ =	shalt  }
0x70: {  	_ =	shalt  }
0x71: {  	_ =	shalt  }
0x72: {  	_ =	shalt  }
0x73: {  	_ =	shalt  }
0x74: {  	_ =	shalt  }
0x75: {  	_ =	shalt  }
0x76: {  	_ =	shalt  }
0x77: {  	_ =	shalt  }
0x78: {  	_ =	shalt  }
0x79: {  	_ =	shalt  }
0x7a: {  	_ =	shalt  }
0x7b: {  	_ =	shalt  }
0x7c: {  	_ =	shalt  }
0x7d: {  	_ =	shalt  }
0x7e: {  	_ =	shalt  }
0x7f: {  	_ =	shalt  }
0x80: {  	_ =	shalt  }
0x81: {  	_ =	shalt  }
0x82: {  	_ =	shalt  }
0x83: {  	_ =	shalt  }
0x84: {  	_ =	shalt  }
0x85: {  	_ =	shalt  }
0x86: {  	_ =	shalt  }
0x87: {  	_ =	shalt  }
.Lfunc_end0:
.L_simem_size_0:
called_computation_lowered:
.L_overlay_start_0:
0x88: {  	s2 =	sld [smem:$0x3FD9]  }
0x89: {  	s3 =	sld [smem:$0x3FFE];
	_ =	sdelay $0x1  }
0x8a: {  	s1 =	srdreg.scid  }
0x8b: {  	s0 =	sand.u32 $0x1, s1  }
0x8c: {  	s18 =	sshll.u32 s0, $0xA;
	s2 =	sadd.s32 s3, s2  }
0x8d: {  	s2 =	sadd.s32 s2, s18  }
0x8e: {  	[smem:$0x3FC6] =	sst s2  }
0x8f: {  	_ = 	snop  }
0x90: {  	s2 =	sld [smem:$0x3FC9]  }
0x91: {  	s19 =	sld [smem:$0x3FC8]  }
0x92: {  	s4 =	sld [smem:$0x3FD0];
	(tm) =	ssettm $0x1  }
0x93: {  	s5 =	sld [smem:$0x3FFB];
	_ =	sdelay $0x3  }
0x94: {  	_ =	strace s5  }
0x95: {  	s5 =	sld [smem:$0x3FFC];
	_ =	sdelay $0x3  }
0x96: {  	_ =	strace s5  }
0x97: {  	s5 =	sld [smem:$0x3FFD];
	_ =	sdelay $0x3  }
0x98: {  	_ =	strace s5  }
0x99: {  	_ =	strace $0x8FFFFFFF  }
0x9a: {  	s20 =	sld [smem:$0x3FDB];
	_ =	sdelay $0x1  }
0x9b: {  	s6 =	simm.s32 $_scs_section_size  }
0x9c: {  	s7 =	simm.s32 $_size__tile_overlayer_lowered;
	s8 =	simm.s32 $_tile_overlayer_lowered  }
0x9d: {  	s23 =	simm.s32 $0x1BFF;
	s22 =	sshll.u32 s8, $0x1;
	s5 =	sadd.s32 s6, s20  }
0x9e: {  	s9 =	simm.s32 $0x0;
	s21 =	sshll.u32 s7, $0x1;
	s7 =	sadd.s32 s22, s5  }
0x9f: {  	[timem:s9], [sflag:s23] =	dma.local [hbm:s7], s21  }
0xa0: {  	_ =	swait.ge [sflag:s23], s21  }
0xa1: {  	s6 =	ssub.s32 $0x0, s21;
	[sflag:s23] =	ssyncset.done $0x0  }
0xa2: {  	[sflag:s23] =	ssyncadd.s32 s6;
	_ =	sdelay $0x1  }
0xa3: {  	s24 =	simm.s32 $0x1B8B  }
0xa4: {  	_ =	swait.ge [sflag:s24], $0x1  }
0xa5: {  	[sflag:s24] =	ssyncset.done $0x0  }
0xa6: {  	s25 =	simm.s32 $0x1B8E;
	[sflag:s24] =	ssyncadd.s32 $0xFFFFFFFF  }
0xa7: {  	s26 =	simm.s32 $execute0_lowered;
	[smem:$0x3FD2] =	sst s25  }
0xa8: {  	s6 =	sshll.u32 s26, $0x1;
	_ =	strace $0x80000046;
	[dreg:$0x1] =	wrdreg $0xFFFFFFFF  }
0xa9: {  	s28 =	simm.s32 $_size_execute0_lowered;
	s5 =	sadd.s32 s5, s6;
	[dreg:$0x0] =	wrdreg $0x0  }
0xaa: {  	s6 =	sshll.u32 s28, $0x1;
	[dreg:$0x2] =	wrdreg s5  }
0xab: {  	[dreg:$0x3] =	wrdreg s6  }
0xac: {  	[dreg:$0x4] =	wrdreg $0xC0  }
0xad: {  	_ =	task [dreg:s9], $0x5FFFF  }
0xae: {  	[dreg:$0x1] =	wrdreg $0xFFFFFFFF  }
0xaf: {  	[dreg:$0x0] =	wrdreg $0x60  }
0xb0: {  	[dreg:$0x2] =	wrdreg s19  }
0xb1: {  	[dreg:$0x3] =	wrdreg s2  }
0xb2: {  	[dreg:$0x4] =	wrdreg s4  }
0xb3: {  	[dreg:$0x5] =	wrdreg $0x102000  }
0xb4: {  	[dreg:$0x6] =	wrdreg $0x9  }
0xb5: {  	_ =	task.clear_ibuf [dreg:s9], $0x7FFFF;
	_ =	strace $0x90000046  }
0xb6: {  	s29 =	simm.s32 $0x9;
	_ =	strace $0x80000048  }
0xb7: {  	_ =	swait.ge [sflag:s29], $0x1  }
0xb8: {  	[sflag:s29] =	ssyncadd.s32 $0xFFFFFFFF  }
0xb9: {  	_ =	strace $0x90000048  }
0xba: {  	_ =	sfence  }
0xbb: {  	s30 =	sld [smem:$0x0];
	_ =	sdelay $0x2  }
0xbc: {  	s31 =	sshll.u32 s1, $0xD;
	s1 =	sshrl.u32 s1, $0x2  }
0xbd: {  	s3 =	sand.u32 $0x4000, s31;
	s1 =	sadd.s32 s1, s30  }
0xbe: {  	s0 =	sor.u32 s3, s0;
	s1 =	sshll.u32 s1, $0x11  }
0xbf: {  	s0 =	sor.u32 s1, s0  }
0xc0: {  	s0 =	sadd.s32 $0x8F2B, s0  }
0xc1: {  	[sflag:s0] =	ssyncadd.remote.s32 $0x1  }
0xc2: {  	_ =	sfence.sel $0xFFFF  }
0xc3: {  	[dreg:$0x0] =	wrdreg $0xFFFFFFFF;
	(pc) =	sbr.abs _section_cstart, $3  }
0xc4: {  	[dreg:$0x1] =	wrdreg $0xFFFFFFFF  }
0xc5: {  	_ =	task.clear_ibuf [dreg:s9], $0x2FFFF;
	_ =	strace $0x9FFFFFFF  }
0xc6: {  	(tm) =	ssettm $0x7FFFFFFF  }
0xc7: {  	_ =	shalt  }
tec
execute0_lowered:
.L_overlay_start_1:
0x0: {  	(tag) =	ssettag $0x1  }
0x1: {  	s1 =	rddreg [dreg:$0x0]  }
0x2: {  	s5 =	rddreg [dreg:$0x1]  }
0x3: {  	s6 =	rddreg [dreg:$0x2]  }
0x4: {  	s3 =	rddreg [dreg:$0x3];
	s4 =	simm.s32 $0x0  }
0x5: {  	s0 =	srdreg.scid;
	s2 =	stileid.u32;
	s25 =	simm.s32 $0x2200  }
0x6: {  	s26 =	simm.s32 $0x80;
	[smem:$0x7FF] =	sst s4;
	s0 =	sand.u32 $0x1, s0  }
0x7: {  	s7 =	sshll.u32 s2, $0xA;
	s9 =	sshll.u32 s2, $0x9;
	s20 =	sadd.s32 $0x3C00, s1  }
0x8: {  	_ =	strace $0x80000047;
	s8 =	sshll.u32 s0, $0xD;
	[dreg:$0x6] =	wrdreg s20  }
0x9: {  	s7 =	sadd.s32 s1, s7;
	[dreg:$0xe] =	wrdreg s25;
	s19 =	sor.u32 s9, s8  }
0xa: {  	[dreg:$0x5] =	wrdreg s7;
	s9 =	sshrl.u32 s19, $0x3;
	s7 =	sshll.u32 s19, $0x4  }
0xb: {  	[dreg:$0xf] =	wrdreg s26;
	s21 =	sadd.s32 s5, s9;
	s5 =	sadd.s32 s6, s7  }
0xc: {  	s22 =	sshll.u32 s2, $0xD;
	[dreg:$0x7] =	wrdreg s21;
	s7 =	sadd.s32 $0x800, s5  }
0xd: {  	p0 =	seq.s32 s2, $0xF;
	s23 =	sadd.s32 $0x1000, s5;
	[dreg:$0x8] =	wrdreg s7  }
0xe: {  	s6 =	sadd.s32 s22, s3;
	s24 =	sadd.s32 $0x1800, s5;
	[dreg:$0x9] =	wrdreg s23  }
0xf: {  	s8 =	sadd.s32 $0x1E000, s3;
	s6 =	sshrl.u32 @!p0 s6, $0x3;
	[dreg:$0xa] =	wrdreg s24  }
0x10: {  	s7 =	sshrl.u32 @p0 s8, $0x3;
	[dreg:$0xc] =	wrdreg s6  }
0x11: {  	s8 =	sshll.u32 @!p0 s2, $0x6;
	[dreg:$0xd] =	wrdreg s7  }
0x12: {  	s2 =	simm.s32 $0xC0;
	s7 =	sor.u32 @!p0 $0x1C0A, s8;
	s8 =	rddreg [dreg:$0x6]  }
0x13: {  	[dreg:$0x10] =	wrdreg s2  }
0x14: {  	[dreg:$0xb] =	wrdreg s7  }
0x15: {  	s2 =	simm.s32 @p0 $0x1FCA;
	s7 =	rddreg [dreg:$0xd]  }
0x16: {  	[spmem:s7], [sflag:s2] =	dma.local @p0 [hbm:s8], $0x290  }
0x17: {  	s7 =	rddreg [dreg:$0xc]  }
0x18: {  	s8 =	rddreg [dreg:$0x5]  }
0x19: {  	s9 =	rddreg [dreg:$0xb]  }
0x1a: {  	[spmem:s7], [sflag:s9] =	dma.local @!p0 [hbm:s8], $0x400  }
0x1b: {  	s7 =	simm.s32 $0xB;
	s8 =	rddreg [dreg:$0x7]  }
0x1c: {  	[tilespmem:s4], [sflag:$0xB] =	stream.linear.gather [hbm4b:s8+s4], $0x200, $0x38;
	[tilespmem:$0x12148] =	vst v63  }
0x1d: {  	_ =	swait.ge [sflag:s7], $0x200  }
0x1e: {  	s10 =	simm.s32 @p0 $0xA;
	[sflag:s7] =	ssyncset.done $0x0  }
0x1f: {  	s9 =	simm.s32 $0x200;
	s8 =	simm.s32 $0x40;
	[sflag:s7] =	ssyncadd.s32 $0xFFFFFE00  }
0x20: {  	[tilespmem:s9], [sflag:$0x1] =	stream.indirect.gather [hbm4b:s1+s8], $0x80, s4, s8, $0xb8;
	[tilespmem:$0x12148] =	vst v63  }
0x21: {  	_ =	swait.ge @p0 [sflag:s10], $0x290  }
0x22: {  	[sflag:s10] =	ssyncset.done @p0 $0x0  }
0x23: {  	s11 =	simm.s32 @!p0 $0xA;
	[sflag:s10] =	ssyncadd.s32 @p0 $0xFFFFFD70  }
0x24: {  	_ =	swait.ge @!p0 [sflag:s11], $0x400  }
0x25: {  	[sflag:s11] =	ssyncset.done @!p0 $0x0  }
0x26: {  	[sflag:s11] =	ssyncadd.s32 @!p0 $0xFFFFFC00  }
0x27: {  	[bflag:$0x0] =	sbarrier.arrive $0xFFFF  }
0x28: {  	s12 =	rddreg [dreg:$0xe]  }
0x29: {  	[tilespmem:s12], [sflag:$0x2] =	stream.indirect.gather [spmem:s3], $0x80, s8, s8, $0xb8;
	[tilespmem:$0x12148] =	vst v63  }
0x2a: {  	s13 =	rddreg [dreg:$0xf];
	s12 =	simm.s32 $0x4200  }
0x2b: {  	[tilespmem:s12], [sflag:$0x3] =	stream.indirect.gather [spmem:s3], $0x80, s13, s8, $0xb8;
	[tilespmem:$0x12148] =	vst v63  }
0x2c: {  	s14 =	rddreg [dreg:$0x10];
	s13 =	simm.s32 $0x6200  }
0x2d: {  	[tilespmem:s13], [sflag:$0x4] =	stream.indirect.gather [spmem:s3], $0x80, s14, s8, $0xb8;
	[tilespmem:$0x12148] =	vst v63  }
0x2e: {  	s15 =	simm.s32 $0x8200;
	s14 =	simm.s32 $0x100  }
0x2f: {  	[tilespmem:s15], [sflag:$0x5] =	stream.indirect.gather [spmem:s3], $0x80, s14, s8, $0xb8;
	[tilespmem:$0x12148] =	vst v63  }
0x30: {  	s16 =	simm.s32 $0x140;
	s17 =	simm.s32 $0xA200  }
0x31: {  	[tilespmem:s17], [sflag:$0x6] =	stream.indirect.gather [spmem:s3], $0x80, s16, s8, $0xb8;
	[tilespmem:$0x12148] =	vst v63  }
0x32: {  	s18 =	simm.s32 $0x180;
	s19 =	simm.s32 $0xC200  }
0x33: {  	[tilespmem:s19], [sflag:$0x7] =	stream.indirect.gather [spmem:s3], $0x80, s18, s8, $0xb8;
	[tilespmem:$0x12148] =	vst v63  }
0x34: {  	s20 =	simm.s32 $0x1C0;
	s22 =	simm.s32 $0x1;
	s21 =	simm.s32 $0xE200  }
0x35: {  	[tilespmem:s21], [sflag:$0x8] =	stream.indirect.gather [spmem:s3], $0x80, s20, s8, $0xb8;
	[tilespmem:$0x12148] =	vst v63  }
0x36: {  	_ =	swait.ge [sflag:s22], $0x2000  }
0x37: {  	[sflag:s22] =	ssyncset.done $0x0  }
0x38: {  	s23 =	simm.s32 $0x2;
	[sflag:s22] =	ssyncadd.s32 $0xFFFFE000  }
0x39: {  	_ =	swait.ge [sflag:s23], $0x2000  }
0x3a: {  	[sflag:s23] =	ssyncset.done $0x0  }
0x3b: {  	s24 =	simm.s32 $0x3;
	[sflag:s23] =	ssyncadd.s32 $0xFFFFE000  }
0x3c: {  	[hbm4b:s5+s4] =	stream.linear.scatter [tilespmem:s9], [sflag:$0x9], $0x4000, $0x38;
	[tilespmem:$0x12148] =	vst v63  }
0x3d: {  	_ =	swait.ge [sflag:s24], $0x2000  }
0x3e: {  	[sflag:s24] =	ssyncset.done $0x0  }
0x3f: {  	s25 =	simm.s32 $0x4;
	[sflag:s24] =	ssyncadd.s32 $0xFFFFE000  }
0x40: {  	_ =	swait.ge [sflag:s25], $0x2000  }
0x41: {  	[sflag:s25] =	ssyncset.done $0x0  }
0x42: {  	s26 =	rddreg [dreg:$0x8];
	[sflag:s25] =	ssyncadd.s32 $0xFFFFE000  }
0x43: {  	[hbm4b:s26+s4] =	stream.linear.scatter [tilespmem:s12], [sflag:$0x9], $0x4000, $0x38;
	[tilespmem:$0x12148] =	vst v63  }
0x44: {  	s26 =	simm.s32 $0x5  }
0x45: {  	_ =	swait.ge [sflag:s26], $0x2000  }
0x46: {  	[sflag:s26] =	ssyncset.done $0x0  }
0x47: {  	s28 =	simm.s32 $0x6;
	[sflag:s26] =	ssyncadd.s32 $0xFFFFE000  }
0x48: {  	_ =	swait.ge [sflag:s28], $0x2000  }
0x49: {  	[sflag:s28] =	ssyncset.done $0x0  }
0x4a: {  	s29 =	rddreg [dreg:$0x9];
	[sflag:s28] =	ssyncadd.s32 $0xFFFFE000  }
0x4b: {  	[hbm4b:s29+s4] =	stream.linear.scatter [tilespmem:s15], [sflag:$0x9], $0x4000, $0x38;
	[tilespmem:$0x12148] =	vst v63  }
0x4c: {  	s29 =	simm.s32 $0x7  }
0x4d: {  	_ =	swait.ge [sflag:s29], $0x2000  }
0x4e: {  	[sflag:s29] =	ssyncset.done $0x0  }
0x4f: {  	s30 =	simm.s32 $0x8;
	[sflag:s29] =	ssyncadd.s32 $0xFFFFE000  }
0x50: {  	_ =	swait.ge [sflag:s30], $0x2000  }
0x51: {  	[sflag:s30] =	ssyncset.done $0x0  }
0x52: {  	s0 =	ssub.s32 $0x2, s0;
	s31 =	rddreg [dreg:$0xa];
	[sflag:s30] =	ssyncadd.s32 $0xFFFFE000  }
0x53: {  	[hbm4b:s31+s4] =	stream.linear.scatter [tilespmem:s19], [sflag:$0x9], $0x4000, $0x38;
	[tilespmem:$0x12148] =	vst v63  }
0x54: {  	s6 =	sshrl.u32 s0, $0x1;
	s31 =	simm.s32 $0x9  }
0x55: {  	s0 =	ssub.s32 s0, s6;
	_ =	swait.ge [sflag:s31], $0x4000  }
0x56: {  	s0 =	smax.u32 s0, $0x1;
	[sflag:s31] =	ssyncset.done $0x0  }
0x57: {  	s0 =	sadd.s32 $0xFFFFFFFF, s0;
	[sflag:s31] =	ssyncadd.s32 $0xFFFFC000  }
0x58: {  	p1 =	sne.s32 s0, $0x0;
	_ =	swait.ge [sflag:s31], $0x4000  }
.Ltmp0:
0x59: {  	[sflag:s31] =	ssyncset.done $0x0;
	(pc) =	sbr.rel @!p1 .LBB2_2-.Ltmp0, $4  }
0x5a: {  	[sflag:s31] =	ssyncadd.s32 $0xFFFFC000  }
0x5b: {  	_ =	swait.ge [sflag:s31], $0x4000  }
0x5c: {  	[sflag:s31] =	ssyncset.done $0x0  }
0x5d: {  	[sflag:s31] =	ssyncadd.s32 $0xFFFFC000  }
.LBB2_1:
0x5e: {  	_ =	swait.ge [sflag:s31], $0x4000  }
0x5f: {  	s2 =	rddreg [dreg:$0xd];
	[sflag:s31] =	ssyncset.done $0x0  }
0x60: {  	s6 =	simm.s32 @p0 $0x1FCA;
	s1 =	rddreg [dreg:$0x6];
	[sflag:s31] =	ssyncadd.s32 $0xFFFFC000  }
0x61: {  	[spmem:s2], [sflag:s6] =	dma.local @p0 [hbm:s1], $0x290  }
0x62: {  	s1 =	rddreg [dreg:$0xc]  }
0x63: {  	s2 =	rddreg [dreg:$0x5]  }
0x64: {  	s6 =	rddreg [dreg:$0xb]  }
0x65: {  	[spmem:s1], [sflag:s6] =	dma.local @!p0 [hbm:s2], $0x400  }
0x66: {  	s1 =	rddreg [dreg:$0x7]  }
0x67: {  	[tilespmem:s4], [sflag:$0xB] =	stream.linear.gather [hbm4b:s1+s4], $0x200, $0x38;
	[tilespmem:$0x12148] =	vst v63  }
0x68: {  	_ =	swait.ge [sflag:s7], $0x200  }
0x69: {  	[sflag:s7] =	ssyncset.done $0x0  }
0x6a: {  	[sflag:s7] =	ssyncadd.s32 $0xFFFFFE00  }
0x6b: {  	s2 =	rddreg [dreg:$0x0]  }
0x6c: {  	[tilespmem:s9], [sflag:$0x1] =	stream.indirect.gather [hbm4b:s2+s8], $0x80, s4, s8, $0xb8;
	[tilespmem:$0x12148] =	vst v63  }
0x6d: {  	_ =	swait.ge @p0 [sflag:s10], $0x290  }
0x6e: {  	[sflag:s10] =	ssyncset.done @p0 $0x0  }
0x6f: {  	[sflag:s10] =	ssyncadd.s32 @p0 $0xFFFFFD70  }
0x70: {  	_ =	swait.ge @!p0 [sflag:s11], $0x400  }
0x71: {  	[sflag:s11] =	ssyncset.done @!p0 $0x0  }
0x72: {  	[sflag:s11] =	ssyncadd.s32 @!p0 $0xFFFFFC00  }
0x73: {  	[bflag:$0x0] =	sbarrier.arrive $0xFFFF  }
0x74: {  	s1 =	rddreg [dreg:$0xe]  }
0x75: {  	[tilespmem:s1], [sflag:$0x2] =	stream.indirect.gather [spmem:s3], $0x80, s8, s8, $0xb8;
	[tilespmem:$0x12148] =	vst v63  }
0x76: {  	s2 =	rddreg [dreg:$0xf]  }
0x77: {  	[tilespmem:s12], [sflag:$0x3] =	stream.indirect.gather [spmem:s3], $0x80, s2, s8, $0xb8;
	[tilespmem:$0x12148] =	vst v63  }
0x78: {  	s6 =	rddreg [dreg:$0x10]  }
0x79: {  	[tilespmem:s13], [sflag:$0x4] =	stream.indirect.gather [spmem:s3], $0x80, s6, s8, $0xb8;
	[tilespmem:$0x12148] =	vst v63  }
0x7a: {  	_ = 	snop  }
0x7b: {  	[tilespmem:s15], [sflag:$0x5] =	stream.indirect.gather [spmem:s3], $0x80, s14, s8, $0xb8;
	[tilespmem:$0x12148] =	vst v63  }
0x7c: {  	_ = 	snop  }
0x7d: {  	[tilespmem:s17], [sflag:$0x6] =	stream.indirect.gather [spmem:s3], $0x80, s16, s8, $0xb8;
	[tilespmem:$0x12148] =	vst v63  }
0x7e: {  	_ = 	snop  }
0x7f: {  	[tilespmem:s19], [sflag:$0x7] =	stream.indirect.gather [spmem:s3], $0x80, s18, s8, $0xb8;
	[tilespmem:$0x12148] =	vst v63  }
0x80: {  	_ = 	snop  }
0x81: {  	[tilespmem:s21], [sflag:$0x8] =	stream.indirect.gather [spmem:s3], $0x80, s20, s8, $0xb8;
	[tilespmem:$0x12148] =	vst v63  }
0x82: {  	_ =	swait.ge [sflag:s22], $0x2000  }
0x83: {  	[sflag:s22] =	ssyncset.done $0x0  }
0x84: {  	[sflag:s22] =	ssyncadd.s32 $0xFFFFE000  }
0x85: {  	_ =	swait.ge [sflag:s23], $0x2000  }
0x86: {  	[sflag:s23] =	ssyncset.done $0x0  }
0x87: {  	[sflag:s23] =	ssyncadd.s32 $0xFFFFE000  }
0x88: {  	[hbm4b:s5+s4] =	stream.linear.scatter [tilespmem:s9], [sflag:$0x9], $0x4000, $0x38;
	[tilespmem:$0x12148] =	vst v63  }
0x89: {  	_ =	swait.ge [sflag:s24], $0x2000  }
0x8a: {  	[sflag:s24] =	ssyncset.done $0x0  }
0x8b: {  	[sflag:s24] =	ssyncadd.s32 $0xFFFFE000  }
0x8c: {  	_ =	swait.ge [sflag:s25], $0x2000  }
0x8d: {  	[sflag:s25] =	ssyncset.done $0x0  }
0x8e: {  	s6 =	rddreg [dreg:$0x8];
	[sflag:s25] =	ssyncadd.s32 $0xFFFFE000  }
0x8f: {  	[hbm4b:s6+s4] =	stream.linear.scatter [tilespmem:s12], [sflag:$0x9], $0x4000, $0x38;
	[tilespmem:$0x12148] =	vst v63  }
0x90: {  	_ =	swait.ge [sflag:s26], $0x2000  }
0x91: {  	[sflag:s26] =	ssyncset.done $0x0  }
0x92: {  	[sflag:s26] =	ssyncadd.s32 $0xFFFFE000  }
0x93: {  	_ =	swait.ge [sflag:s28], $0x2000  }
0x94: {  	[sflag:s28] =	ssyncset.done $0x0  }
0x95: {  	s2 =	rddreg [dreg:$0x9];
	[sflag:s28] =	ssyncadd.s32 $0xFFFFE000  }
0x96: {  	[hbm4b:s2+s4] =	stream.linear.scatter [tilespmem:s15], [sflag:$0x9], $0x4000, $0x38;
	[tilespmem:$0x12148] =	vst v63  }
0x97: {  	_ =	swait.ge [sflag:s29], $0x2000  }
0x98: {  	[sflag:s29] =	ssyncset.done $0x0  }
0x99: {  	[sflag:s29] =	ssyncadd.s32 $0xFFFFE000  }
0x9a: {  	_ =	swait.ge [sflag:s30], $0x2000  }
0x9b: {  	[sflag:s30] =	ssyncset.done $0x0  }
0x9c: {  	s6 =	rddreg [dreg:$0xa];
	[sflag:s30] =	ssyncadd.s32 $0xFFFFE000  }
0x9d: {  	[hbm4b:s6+s4] =	stream.linear.scatter [tilespmem:s19], [sflag:$0x9], $0x4000, $0x38;
	[tilespmem:$0x12148] =	vst v63  }
0x9e: {  	_ =	swait.ge [sflag:s31], $0x4000  }
0x9f: {  	[sflag:s31] =	ssyncset.done $0x0  }
0xa0: {  	s0 =	sadd.s32 $0xFFFFFFFF, s0;
	[sflag:s31] =	ssyncadd.s32 $0xFFFFC000  }
0xa1: {  	p1 =	sne.s32 s0, $0x0;
	_ =	swait.ge [sflag:s31], $0x4000  }
.Ltmp1:
0xa2: {  	[sflag:s31] =	ssyncset.done $0x0;
	(pc) =	sbr.rel @p1 .LBB2_1-.Ltmp1, $4  }
0xa3: {  	[sflag:s31] =	ssyncadd.s32 $0xFFFFC000  }
0xa4: {  	_ =	swait.ge [sflag:s31], $0x4000  }
0xa5: {  	[sflag:s31] =	ssyncset.done $0x0  }
0xa6: {  	[sflag:s31] =	ssyncadd.s32 $0xFFFFC000  }
.LBB2_2:
0xa7: {  	_ =	swait.ge [sflag:s31], $0x4000  }
0xa8: {  	[sflag:s31] =	ssyncset.done $0x0  }
0xa9: {  	[sflag:s31] =	ssyncadd.s32 $0xFFFFC000  }
0xaa: {  	_ =	sfence.sel $0x180000  }
0xab: {  	[bflag:$0x0] =	sbarrier.arrive $0xFFFF  }
0xac: {  	_ =	strace $0x90000047  }
0xad: {  	s0 =	stileid.u32;
	[bflag:$0x2] =	sbarrier.arrive $0xFFFF  }
0xae: {  	p0 =	sne.s32 s0, $0x0;
	s0 =	rddreg [dreg:$0x4]  }
0xaf: {  	s0 =	sadd.s32 @!p0 $0x100000, s0  }
0xb0: {  	[sflag:s0] =	ssyncadd.tile.s32 @!p0 $0x1;
	_ =	shalt  }
.Lfunc_end2:
_tile_overlayer_lowered:
.L_overlay_start_2:
0xb1: {  	(tag) =	ssettag $0x2  }
0xb2: {  	s0 =	rddreg [dreg:$0x0];
	s2 =	stileid.u32  }
0xb3: {  	s1 =	rddreg [dreg:$0x1];
	p0 =	sne.s32 s2, $0x0  }
0xb4: {  	s3 =	rddreg [dreg:$0x2];
	[bflag:$0x3] =	sbarrier.arrive $0xFFFF;
	s2 =	simm.s32 @!p0 $0x1C0B  }
0xb5: {  	[timem:s3], [sflag:s2] =	dma.local @!p0 [hbm:s0], s1  }
0xb6: {  	s0 =	simm.s32 @!p0 $0xB  }
0xb7: {  	_ =	swait.ge @!p0 [sflag:s0], s1  }
0xb8: {  	s1 =	ssub.s32 @!p0 $0x0, s1;
	[sflag:s0] =	ssyncset.done @!p0 $0x0  }
0xb9: {  	[sflag:s0] =	ssyncadd.s32 @!p0 s1  }
0xba: {  	[bflag:$0x3] =	sbarrier.arrive $0xFFFF  }
0xbb: {  	_ =	shalt  }

</sc_bundles>
